<compile_context>
chip_gen: v7x
topology: tpu7x:2x2x1
jax: 0.10.2.dev20260603
libtpu: 0.0.44.dev20260713+nightly
codegen_flags: <defaults>
</compile_context>

<pallas_src>
import functools

import jax
import jax.numpy as jnp
from jax import lax
from jax.experimental import pallas as pl
from jax.experimental.pallas import tpu as pltpu
from jax.experimental.pallas import tpu_sc as plsc

_DEPTH = 1000
_ROWS = 4096 * 26
_NW = 32
_RPW = _ROWS // _NW
_R = 16
_CH = _RPW // _R
_NBUF = 4


def _make_kernel():
    mesh = plsc.VectorSubcoreMesh(core_axis_name="c", subcore_axis_name="s")

    @functools.partial(
        pl.kernel,
        mesh=mesh,
        out_type=jax.ShapeDtypeStruct((_ROWS * _DEPTH,), jnp.float32),
        scratch_types=[
            pltpu.VMEM((_RPW,), jnp.int32),
        ]
        + [pltpu.VMEM((_R * _DEPTH,), jnp.float32) for _ in range(_NBUF)]
        + [pltpu.SemaphoreType.DMA for _ in range(_NBUF)],
        compiler_params=pltpu.CompilerParams(needs_layout_passes=False),
    )
    def onehot(idx_hbm, out_hbm, idx_v, *bufs_sems):
        bufs = bufs_sems[:_NBUF]
        sems = bufs_sems[_NBUF:]
        wid = lax.axis_index("s") * 2 + lax.axis_index("c")
        base_row = wid * _RPW
        pltpu.sync_copy(idx_hbm.at[pl.ds(base_row, _RPW)], idx_v)

        zeros = jnp.zeros((16,), jnp.float32)
        ones = jnp.ones((16,), jnp.float32)
        lane = lax.iota(jnp.int32, 16)

        def zbody(j, carry):
            for b in range(_NBUF):
                bufs[b][pl.ds(j * 16, 16)] = zeros
            return carry

        lax.fori_loop(0, _R * _DEPTH // 16, zbody, 0)

        def scatter(c, buf, val):
            idxv = idx_v[pl.ds(c * _R, 16)]
            pos = lane * _DEPTH + idxv
            plsc.store_scatter(buf, [pos], val)

        def out_slice(c):
            return out_hbm.at[pl.ds((base_row + c * _R) * _DEPTH, _R * _DEPTH)]

        for b in range(_NBUF):
            scatter(b, bufs[b], ones)
            pltpu.async_copy(bufs[b], out_slice(b), sems[b])

        def obody(t, carry):
            for b in range(_NBUF):
                c = (t + 1) * _NBUF + b
                pltpu.make_async_copy(bufs[b], out_slice(c - _NBUF), sems[b]).wait()
                scatter(c - _NBUF, bufs[b], zeros)
                scatter(c, bufs[b], ones)
                pltpu.async_copy(bufs[b], out_slice(c), sems[b])
            return carry

        lax.fori_loop(0, _CH // _NBUF - 1, obody, 0)

        for b in range(_NBUF):
            c_last = _CH - _NBUF + b
            pltpu.make_async_copy(bufs[b], out_slice(c_last), sems[b]).wait()

    return onehot


_onehot = _make_kernel()


def kernel(inputs):
    idx = jnp.asarray(inputs, jnp.int32).reshape(-1)
    flat = _onehot(idx)
    return flat.reshape(inputs.shape[0], inputs.shape[1], _DEPTH)

# --- scband reference (transcript-rebuilt; emitter-appended) ---
"""Pipeline reference for scband-one-hot-encoding-35433480192319 (READ-ONLY COPY).

The authoritative reference and input builder live on the scoring server;
editing this copy changes nothing except your own understanding.
"""

import jax, jax.numpy as jnp
import numpy as np

NUM_INPUTS = 1000

def setup_inputs(seed: int = 0) -> dict:
    key = jax.random.key(seed)
    inputs = jax.random.randint(key, (4096, 26), 0, NUM_INPUTS, dtype=jnp.int64)
    return {"inputs": inputs}

def reference(inputs):
    # Faithful translation of OneHotEncoding.apply:
    # if last dim == 1, squeeze it, then tf.one_hot(inputs, depth=num_inputs)
    if inputs.shape[-1] == 1:
        inputs = jnp.squeeze(inputs, axis=-1)
    return jax.nn.one_hot(inputs, NUM_INPUTS, dtype=jnp.float32)

if __name__ == "__main__":
    import jax
    _d = setup_inputs()
    print(jax.jit(kernel)(*tuple(_d.values())))

</pallas_src>

<mosaic_0001>
#map = affine_map<(d0, d1) -> (0)>
module attributes {stable_mosaic.version = 14 : i64} {
  func.func @onehot(%arg0: i32, %arg1: i32, %arg2: memref<106496xi32, #tpu.memory_space<hbm>>, %arg3: memref<106496000xf32, #tpu.memory_space<hbm>>, %arg4: memref<3328xi32, #tpu.memory_space<vmem>>, %arg5: memref<16000xf32, #tpu.memory_space<vmem>>, %arg6: memref<16000xf32, #tpu.memory_space<vmem>>, %arg7: memref<16000xf32, #tpu.memory_space<vmem>>, %arg8: memref<16000xf32, #tpu.memory_space<vmem>>, %arg9: memref<!tpu.dma_semaphore, #tpu.memory_space<semaphore_mem>>, %arg10: memref<!tpu.dma_semaphore, #tpu.memory_space<semaphore_mem>>, %arg11: memref<!tpu.dma_semaphore, #tpu.memory_space<semaphore_mem>>, %arg12: memref<!tpu.dma_semaphore, #tpu.memory_space<semaphore_mem>>) attributes {dimension_semantics = [#tpu.dimension_semantics<core_parallel>, #tpu.dimension_semantics<subcore_parallel>], iteration_bounds = array<i64: 2, 16>, scalar_prefetch = 0 : i64, scratch_operands = 9 : i64, tpu.core_type = #tpu.core_type<sc_vector_subcore>, window_params = [{transform_indices = #map}, {transform_indices = #map}]} {
    %mul3A = arith.constant 2 : i32
    %mul3A_0 = arith.muli %arg1, %mul3A : i32
    %add3A = arith.addi %mul3A_0, %arg0 : i32
    %mul3A_1 = arith.constant 3328 : i32
    %mul3A_2 = arith.muli %add3A, %mul3A_1 : i32
    "tpu.region"() ({
      %run_scoped3A = tpu.sem_alloc : memref<!tpu.dma_semaphore, #tpu.memory_space<semaphore_mem>>
      %dma_start3A_86 = tpu.memref_slice %arg2[%mul3A_2] : memref<106496xi32, #tpu.memory_space<hbm>> -> memref<3328xi32, #tpu.memory_space<hbm>>
      %dma_start3A_87 = tpu.memref_slice %arg2[%mul3A_2] : memref<106496xi32, #tpu.memory_space<hbm>> -> memref<3328xi32, #tpu.memory_space<hbm>>
      tpu.enqueue_dma source(%dma_start3A_87 : memref<3328xi32, #tpu.memory_space<hbm>>) target(%arg4 : memref<3328xi32, #tpu.memory_space<vmem>>) target_semaphore(%run_scoped3A : memref<!tpu.dma_semaphore, #tpu.memory_space<semaphore_mem>>)
      %dma_wait3A_88 = tpu.memref_slice %arg2[%mul3A_2] : memref<106496xi32, #tpu.memory_space<hbm>> -> memref<3328xi32, #tpu.memory_space<hbm>>
      %dma_wait3A_89 = tpu.memref_slice %arg2[%mul3A_2] : memref<106496xi32, #tpu.memory_space<hbm>> -> memref<3328xi32, #tpu.memory_space<hbm>>
      tpu.wait_dma2 semaphore(%run_scoped3A : memref<!tpu.dma_semaphore, #tpu.memory_space<semaphore_mem>>) src(%dma_wait3A_89 : memref<3328xi32, #tpu.memory_space<hbm>>) dst(%arg4 : memref<3328xi32, #tpu.memory_space<vmem>>)
      tpu.yield
    }) : () -> ()
    %broadcast_in_dim3A = arith.constant 0.000000e+00 : f32
    %broadcast_in_dim3A_3 = vector.broadcast %broadcast_in_dim3A : f32 to vector<16xf32>
    %broadcast_in_dim3A_4 = arith.constant 1.000000e+00 : f32
    %broadcast_in_dim3A_5 = vector.broadcast %broadcast_in_dim3A_4 : f32 to vector<16xf32>
    %iota3A = tpu.iota {dimensions = array<i32: 0>} : vector<16xi32>
    %scan3A = arith.constant 0 : i32
    %scan3A_6 = arith.constant 0 : i32
    %scan3A_7 = arith.constant 1000 : i32
    %scan3A_8 = arith.addi %scan3A_6, %scan3A_7 : i32
    %scan3A_9 = arith.constant 1 : i32
    scf.for %scan3A_86 = %scan3A_6 to %scan3A_8 step %scan3A_9  : i32 {
      %mul3A_87 = arith.constant 16 : i32
      %mul3A_88 = arith.muli %scan3A_86, %mul3A_87 : i32
      %swap3A = arith.index_cast %mul3A_88 : i32 to index
      %swap3A_89 = tpu.vector_load %arg5[%swap3A] {strides = array<i32>} : memref<16000xf32, #tpu.memory_space<vmem>>, vector<16xf32>,
      tpu.vector_store %arg5[%swap3A], %broadcast_in_dim3A_3 {strides = array<i32>} : memref<16000xf32, #tpu.memory_space<vmem>>, vector<16xf32>,
      %mul3A_90 = arith.constant 16 : i32
      %mul3A_91 = arith.muli %scan3A_86, %mul3A_90 : i32
      %swap3A_92 = arith.index_cast %mul3A_91 : i32 to index
      %swap3A_93 = tpu.vector_load %arg6[%swap3A_92] {strides = array<i32>} : memref<16000xf32, #tpu.memory_space<vmem>>, vector<16xf32>,
      tpu.vector_store %arg6[%swap3A_92], %broadcast_in_dim3A_3 {strides = array<i32>} : memref<16000xf32, #tpu.memory_space<vmem>>, vector<16xf32>,
      %mul3A_94 = arith.constant 16 : i32
      %mul3A_95 = arith.muli %scan3A_86, %mul3A_94 : i32
      %swap3A_96 = arith.index_cast %mul3A_95 : i32 to index
      %swap3A_97 = tpu.vector_load %arg7[%swap3A_96] {strides = array<i32>} : memref<16000xf32, #tpu.memory_space<vmem>>, vector<16xf32>,
      tpu.vector_store %arg7[%swap3A_96], %broadcast_in_dim3A_3 {strides = array<i32>} : memref<16000xf32, #tpu.memory_space<vmem>>, vector<16xf32>,
      %mul3A_98 = arith.constant 16 : i32
      %mul3A_99 = arith.muli %scan3A_86, %mul3A_98 : i32
      %swap3A_100 = arith.index_cast %mul3A_99 : i32 to index
      %swap3A_101 = tpu.vector_load %arg8[%swap3A_100] {strides = array<i32>} : memref<16000xf32, #tpu.memory_space<vmem>>, vector<16xf32>,
      tpu.vector_store %arg8[%swap3A_100], %broadcast_in_dim3A_3 {strides = array<i32>} : memref<16000xf32, #tpu.memory_space<vmem>>, vector<16xf32>,
    }
    %scan3A_10 = arith.constant 1000 : i32
    %get3A = arith.constant 0 : index
    %get3A_11 = tpu.vector_load %arg4[%get3A] {strides = array<i32>} : memref<3328xi32, #tpu.memory_space<vmem>>, vector<16xi32>,
    %mul3A_12 = arith.constant 1000 : i32
    %mul3A_13 = vector.broadcast %mul3A_12 : i32 to vector<16xi32>
    %mul3A_14 = arith.muli %iota3A, %mul3A_13 : vector<16xi32>
    %add3A_15 = arith.addi %mul3A_14, %get3A_11 : vector<16xi32>
    tpu.vector_store_idx %arg5[%add3A_15], %broadcast_in_dim3A_5 : memref<16000xf32, #tpu.memory_space<vmem>>[vector<16xi32>], vector<16xf32>,
    %add3A_16 = arith.constant 0 : i32
    %add3A_17 = arith.addi %mul3A_2, %add3A_16 : i32
    %mul3A_18 = arith.constant 1000 : i32
    %mul3A_19 = arith.muli %add3A_17, %mul3A_18 : i32
    %dma_start3A = tpu.memref_slice %arg3[%mul3A_19] : memref<106496000xf32, #tpu.memory_space<hbm>> -> memref<16000xf32, #tpu.memory_space<hbm>>
    %dma_start3A_20 = tpu.memref_slice %arg3[%mul3A_19] : memref<106496000xf32, #tpu.memory_space<hbm>> -> memref<16000xf32, #tpu.memory_space<hbm>>
    tpu.enqueue_dma source(%arg5 : memref<16000xf32, #tpu.memory_space<vmem>>) target(%dma_start3A_20 : memref<16000xf32, #tpu.memory_space<hbm>>) target_semaphore(%arg9 : memref<!tpu.dma_semaphore, #tpu.memory_space<semaphore_mem>>)
    %get3A_21 = arith.constant 16 : index
    %get3A_22 = tpu.vector_load %arg4[%get3A_21] {strides = array<i32>} : memref<3328xi32, #tpu.memory_space<vmem>>, vector<16xi32>,
    %mul3A_23 = arith.constant 1000 : i32
    %mul3A_24 = vector.broadcast %mul3A_23 : i32 to vector<16xi32>
    %mul3A_25 = arith.muli %iota3A, %mul3A_24 : vector<16xi32>
    %add3A_26 = arith.addi %mul3A_25, %get3A_22 : vector<16xi32>
    tpu.vector_store_idx %arg6[%add3A_26], %broadcast_in_dim3A_5 : memref<16000xf32, #tpu.memory_space<vmem>>[vector<16xi32>], vector<16xf32>,
    %add3A_27 = arith.constant 16 : i32
    %add3A_28 = arith.addi %mul3A_2, %add3A_27 : i32
    %mul3A_29 = arith.constant 1000 : i32
    %mul3A_30 = arith.muli %add3A_28, %mul3A_29 : i32
    %dma_start3A_31 = tpu.memref_slice %arg3[%mul3A_30] : memref<106496000xf32, #tpu.memory_space<hbm>> -> memref<16000xf32, #tpu.memory_space<hbm>>
    %dma_start3A_32 = tpu.memref_slice %arg3[%mul3A_30] : memref<106496000xf32, #tpu.memory_space<hbm>> -> memref<16000xf32, #tpu.memory_space<hbm>>
    tpu.enqueue_dma source(%arg6 : memref<16000xf32, #tpu.memory_space<vmem>>) target(%dma_start3A_32 : memref<16000xf32, #tpu.memory_space<hbm>>) target_semaphore(%arg10 : memref<!tpu.dma_semaphore, #tpu.memory_space<semaphore_mem>>)
    %get3A_33 = arith.constant 32 : index
    %get3A_34 = tpu.vector_load %arg4[%get3A_33] {strides = array<i32>} : memref<3328xi32, #tpu.memory_space<vmem>>, vector<16xi32>,
    %mul3A_35 = arith.constant 1000 : i32
    %mul3A_36 = vector.broadcast %mul3A_35 : i32 to vector<16xi32>
    %mul3A_37 = arith.muli %iota3A, %mul3A_36 : vector<16xi32>
    %add3A_38 = arith.addi %mul3A_37, %get3A_34 : vector<16xi32>
    tpu.vector_store_idx %arg7[%add3A_38], %broadcast_in_dim3A_5 : memref<16000xf32, #tpu.memory_space<vmem>>[vector<16xi32>], vector<16xf32>,
    %add3A_39 = arith.constant 32 : i32
    %add3A_40 = arith.addi %mul3A_2, %add3A_39 : i32
    %mul3A_41 = arith.constant 1000 : i32
    %mul3A_42 = arith.muli %add3A_40, %mul3A_41 : i32
    %dma_start3A_43 = tpu.memref_slice %arg3[%mul3A_42] : memref<106496000xf32, #tpu.memory_space<hbm>> -> memref<16000xf32, #tpu.memory_space<hbm>>
    %dma_start3A_44 = tpu.memref_slice %arg3[%mul3A_42] : memref<106496000xf32, #tpu.memory_space<hbm>> -> memref<16000xf32, #tpu.memory_space<hbm>>
    tpu.enqueue_dma source(%arg7 : memref<16000xf32, #tpu.memory_space<vmem>>) target(%dma_start3A_44 : memref<16000xf32, #tpu.memory_space<hbm>>) target_semaphore(%arg11 : memref<!tpu.dma_semaphore, #tpu.memory_space<semaphore_mem>>)
    %get3A_45 = arith.constant 48 : index
    %get3A_46 = tpu.vector_load %arg4[%get3A_45] {strides = array<i32>} : memref<3328xi32, #tpu.memory_space<vmem>>, vector<16xi32>,
    %mul3A_47 = arith.constant 1000 : i32
    %mul3A_48 = vector.broadcast %mul3A_47 : i32 to vector<16xi32>
    %mul3A_49 = arith.muli %iota3A, %mul3A_48 : vector<16xi32>
    %add3A_50 = arith.addi %mul3A_49, %get3A_46 : vector<16xi32>
    tpu.vector_store_idx %arg8[%add3A_50], %broadcast_in_dim3A_5 : memref<16000xf32, #tpu.memory_space<vmem>>[vector<16xi32>], vector<16xf32>,
    %add3A_51 = arith.constant 48 : i32
    %add3A_52 = arith.addi %mul3A_2, %add3A_51 : i32
    %mul3A_53 = arith.constant 1000 : i32
    %mul3A_54 = arith.muli %add3A_52, %mul3A_53 : i32
    %dma_start3A_55 = tpu.memref_slice %arg3[%mul3A_54] : memref<106496000xf32, #tpu.memory_space<hbm>> -> memref<16000xf32, #tpu.memory_space<hbm>>
    %dma_start3A_56 = tpu.memref_slice %arg3[%mul3A_54] : memref<106496000xf32, #tpu.memory_space<hbm>> -> memref<16000xf32, #tpu.memory_space<hbm>>
    tpu.enqueue_dma source(%arg8 : memref<16000xf32, #tpu.memory_space<vmem>>) target(%dma_start3A_56 : memref<16000xf32, #tpu.memory_space<hbm>>) target_semaphore(%arg12 : memref<!tpu.dma_semaphore, #tpu.memory_space<semaphore_mem>>)
    %scan3A_57 = arith.constant 0 : i32
    %scan3A_58 = arith.constant 0 : i32
    %scan3A_59 = arith.constant 51 : i32
    %scan3A_60 = arith.addi %scan3A_58, %scan3A_59 : i32
    %scan3A_61 = arith.constant 1 : i32
    scf.for %scan3A_86 = %scan3A_58 to %scan3A_60 step %scan3A_61  : i32 {
      %add3A_87 = arith.constant 1 : i32
      %add3A_88 = arith.addi %scan3A_86, %add3A_87 : i32
      %mul3A_89 = arith.constant 4 : i32
      %mul3A_90 = arith.muli %add3A_88, %mul3A_89 : i32
      %add3A_91 = arith.constant 0 : i32
      %add3A_92 = arith.addi %mul3A_90, %add3A_91 : i32
      %sub3A = arith.constant 4 : i32
      %sub3A_93 = arith.subi %add3A_92, %sub3A : i32
      %mul3A_94 = arith.constant 16 : i32
      %mul3A_95 = arith.muli %sub3A_93, %mul3A_94 : i32
      %add3A_96 = arith.addi %mul3A_2, %mul3A_95 : i32
      %mul3A_97 = arith.constant 1000 : i32
      %mul3A_98 = arith.muli %add3A_96, %mul3A_97 : i32
      %dma_wait3A_99 = tpu.memref_slice %arg3[%mul3A_98] : memref<106496000xf32, #tpu.memory_space<hbm>> -> memref<16000xf32, #tpu.memory_space<hbm>>
      %dma_wait3A_100 = tpu.memref_slice %arg3[%mul3A_98] : memref<106496000xf32, #tpu.memory_space<hbm>> -> memref<16000xf32, #tpu.memory_space<hbm>>
      tpu.wait_dma2 semaphore(%arg9 : memref<!tpu.dma_semaphore, #tpu.memory_space<semaphore_mem>>) src(%arg5 : memref<16000xf32, #tpu.memory_space<vmem>>) dst(%dma_wait3A_100 : memref<16000xf32, #tpu.memory_space<hbm>>)
      %sub3A_101 = arith.constant 4 : i32
      %sub3A_102 = arith.subi %add3A_92, %sub3A_101 : i32
      %mul3A_103 = arith.constant 16 : i32
      %mul3A_104 = arith.muli %sub3A_102, %mul3A_103 : i32
      %get3A_105 = arith.index_cast %mul3A_104 : i32 to index
      %get3A_106 = tpu.vector_load %arg4[%get3A_105] {strides = array<i32>} : memref<3328xi32, #tpu.memory_space<vmem>>, vector<16xi32>,
      %mul3A_107 = arith.constant 1000 : i32
      %mul3A_108 = vector.broadcast %mul3A_107 : i32 to vector<16xi32>
      %mul3A_109 = arith.muli %iota3A, %mul3A_108 : vector<16xi32>
      %add3A_110 = arith.addi %mul3A_109, %get3A_106 : vector<16xi32>
      tpu.vector_store_idx %arg5[%add3A_110], %broadcast_in_dim3A_3 : memref<16000xf32, #tpu.memory_space<vmem>>[vector<16xi32>], vector<16xf32>,
      %mul3A_111 = arith.constant 16 : i32
      %mul3A_112 = arith.muli %add3A_92, %mul3A_111 : i32
      %get3A_113 = arith.index_cast %mul3A_112 : i32 to index
      %get3A_114 = tpu.vector_load %arg4[%get3A_113] {strides = array<i32>} : memref<3328xi32, #tpu.memory_space<vmem>>, vector<16xi32>,
      %mul3A_115 = arith.constant 1000 : i32
      %mul3A_116 = vector.broadcast %mul3A_115 : i32 to vector<16xi32>
      %mul3A_117 = arith.muli %iota3A, %mul3A_116 : vector<16xi32>
      %add3A_118 = arith.addi %mul3A_117, %get3A_114 : vector<16xi32>
      tpu.vector_store_idx %arg5[%add3A_118], %broadcast_in_dim3A_5 : memref<16000xf32, #tpu.memory_space<vmem>>[vector<16xi32>], vector<16xf32>,
      %mul3A_119 = arith.constant 16 : i32
      %mul3A_120 = arith.muli %add3A_92, %mul3A_119 : i32
      %add3A_121 = arith.addi %mul3A_2, %mul3A_120 : i32
      %mul3A_122 = arith.constant 1000 : i32
      %mul3A_123 = arith.muli %add3A_121, %mul3A_122 : i32
      %dma_start3A_124 = tpu.memref_slice %arg3[%mul3A_123] : memref<106496000xf32, #tpu.memory_space<hbm>> -> memref<16000xf32, #tpu.memory_space<hbm>>
      %dma_start3A_125 = tpu.memref_slice %arg3[%mul3A_123] : memref<106496000xf32, #tpu.memory_space<hbm>> -> memref<16000xf32, #tpu.memory_space<hbm>>
      tpu.enqueue_dma source(%arg5 : memref<16000xf32, #tpu.memory_space<vmem>>) target(%dma_start3A_125 : memref<16000xf32, #tpu.memory_space<hbm>>) target_semaphore(%arg9 : memref<!tpu.dma_semaphore, #tpu.memory_space<semaphore_mem>>)
      %add3A_126 = arith.constant 1 : i32
      %add3A_127 = arith.addi %scan3A_86, %add3A_126 : i32
      %mul3A_128 = arith.constant 4 : i32
      %mul3A_129 = arith.muli %add3A_127, %mul3A_128 : i32
      %add3A_130 = arith.constant 1 : i32
      %add3A_131 = arith.addi %mul3A_129, %add3A_130 : i32
      %sub3A_132 = arith.constant 4 : i32
      %sub3A_133 = arith.subi %add3A_131, %sub3A_132 : i32
      %mul3A_134 = arith.constant 16 : i32
      %mul3A_135 = arith.muli %sub3A_133, %mul3A_134 : i32
      %add3A_136 = arith.addi %mul3A_2, %mul3A_135 : i32
      %mul3A_137 = arith.constant 1000 : i32
      %mul3A_138 = arith.muli %add3A_136, %mul3A_137 : i32
      %dma_wait3A_139 = tpu.memref_slice %arg3[%mul3A_138] : memref<106496000xf32, #tpu.memory_space<hbm>> -> memref<16000xf32, #tpu.memory_space<hbm>>
      %dma_wait3A_140 = tpu.memref_slice %arg3[%mul3A_138] : memref<106496000xf32, #tpu.memory_space<hbm>> -> memref<16000xf32, #tpu.memory_space<hbm>>
      tpu.wait_dma2 semaphore(%arg10 : memref<!tpu.dma_semaphore, #tpu.memory_space<semaphore_mem>>) src(%arg6 : memref<16000xf32, #tpu.memory_space<vmem>>) dst(%dma_wait3A_140 : memref<16000xf32, #tpu.memory_space<hbm>>)
      %sub3A_141 = arith.constant 4 : i32
      %sub3A_142 = arith.subi %add3A_131, %sub3A_141 : i32
      %mul3A_143 = arith.constant 16 : i32
      %mul3A_144 = arith.muli %sub3A_142, %mul3A_143 : i32
      %get3A_145 = arith.index_cast %mul3A_144 : i32 to index
      %get3A_146 = tpu.vector_load %arg4[%get3A_145] {strides = array<i32>} : memref<3328xi32, #tpu.memory_space<vmem>>, vector<16xi32>,
      %mul3A_147 = arith.constant 1000 : i32
      %mul3A_148 = vector.broadcast %mul3A_147 : i32 to vector<16xi32>
      %mul3A_149 = arith.muli %iota3A, %mul3A_148 : vector<16xi32>
      %add3A_150 = arith.addi %mul3A_149, %get3A_146 : vector<16xi32>
      tpu.vector_store_idx %arg6[%add3A_150], %broadcast_in_dim3A_3 : memref<16000xf32, #tpu.memory_space<vmem>>[vector<16xi32>], vector<16xf32>,
      %mul3A_151 = arith.constant 16 : i32
      %mul3A_152 = arith.muli %add3A_131, %mul3A_151 : i32
      %get3A_153 = arith.index_cast %mul3A_152 : i32 to index
      %get3A_154 = tpu.vector_load %arg4[%get3A_153] {strides = array<i32>} : memref<3328xi32, #tpu.memory_space<vmem>>, vector<16xi32>,
      %mul3A_155 = arith.constant 1000 : i32
      %mul3A_156 = vector.broadcast %mul3A_155 : i32 to vector<16xi32>
      %mul3A_157 = arith.muli %iota3A, %mul3A_156 : vector<16xi32>
      %add3A_158 = arith.addi %mul3A_157, %get3A_154 : vector<16xi32>
      tpu.vector_store_idx %arg6[%add3A_158], %broadcast_in_dim3A_5 : memref<16000xf32, #tpu.memory_space<vmem>>[vector<16xi32>], vector<16xf32>,
      %mul3A_159 = arith.constant 16 : i32
      %mul3A_160 = arith.muli %add3A_131, %mul3A_159 : i32
      %add3A_161 = arith.addi %mul3A_2, %mul3A_160 : i32
      %mul3A_162 = arith.constant 1000 : i32
      %mul3A_163 = arith.muli %add3A_161, %mul3A_162 : i32
      %dma_start3A_164 = tpu.memref_slice %arg3[%mul3A_163] : memref<106496000xf32, #tpu.memory_space<hbm>> -> memref<16000xf32, #tpu.memory_space<hbm>>
      %dma_start3A_165 = tpu.memref_slice %arg3[%mul3A_163] : memref<106496000xf32, #tpu.memory_space<hbm>> -> memref<16000xf32, #tpu.memory_space<hbm>>
      tpu.enqueue_dma source(%arg6 : memref<16000xf32, #tpu.memory_space<vmem>>) target(%dma_start3A_165 : memref<16000xf32, #tpu.memory_space<hbm>>) target_semaphore(%arg10 : memref<!tpu.dma_semaphore, #tpu.memory_space<semaphore_mem>>)
      %add3A_166 = arith.constant 1 : i32
      %add3A_167 = arith.addi %scan3A_86, %add3A_166 : i32
      %mul3A_168 = arith.constant 4 : i32
      %mul3A_169 = arith.muli %add3A_167, %mul3A_168 : i32
      %add3A_170 = arith.constant 2 : i32
      %add3A_171 = arith.addi %mul3A_169, %add3A_170 : i32
      %sub3A_172 = arith.constant 4 : i32
      %sub3A_173 = arith.subi %add3A_171, %sub3A_172 : i32
      %mul3A_174 = arith.constant 16 : i32
      %mul3A_175 = arith.muli %sub3A_173, %mul3A_174 : i32
      %add3A_176 = arith.addi %mul3A_2, %mul3A_175 : i32
      %mul3A_177 = arith.constant 1000 : i32
      %mul3A_178 = arith.muli %add3A_176, %mul3A_177 : i32
      %dma_wait3A_179 = tpu.memref_slice %arg3[%mul3A_178] : memref<106496000xf32, #tpu.memory_space<hbm>> -> memref<16000xf32, #tpu.memory_space<hbm>>
      %dma_wait3A_180 = tpu.memref_slice %arg3[%mul3A_178] : memref<106496000xf32, #tpu.memory_space<hbm>> -> memref<16000xf32, #tpu.memory_space<hbm>>
      tpu.wait_dma2 semaphore(%arg11 : memref<!tpu.dma_semaphore, #tpu.memory_space<semaphore_mem>>) src(%arg7 : memref<16000xf32, #tpu.memory_space<vmem>>) dst(%dma_wait3A_180 : memref<16000xf32, #tpu.memory_space<hbm>>)
      %sub3A_181 = arith.constant 4 : i32
      %sub3A_182 = arith.subi %add3A_171, %sub3A_181 : i32
      %mul3A_183 = arith.constant 16 : i32
      %mul3A_184 = arith.muli %sub3A_182, %mul3A_183 : i32
      %get3A_185 = arith.index_cast %mul3A_184 : i32 to index
      %get3A_186 = tpu.vector_load %arg4[%get3A_185] {strides = array<i32>} : memref<3328xi32, #tpu.memory_space<vmem>>, vector<16xi32>,
      %mul3A_187 = arith.constant 1000 : i32
      %mul3A_188 = vector.broadcast %mul3A_187 : i32 to vector<16xi32>
      %mul3A_189 = arith.muli %iota3A, %mul3A_188 : vector<16xi32>
      %add3A_190 = arith.addi %mul3A_189, %get3A_186 : vector<16xi32>
      tpu.vector_store_idx %arg7[%add3A_190], %broadcast_in_dim3A_3 : memref<16000xf32, #tpu.memory_space<vmem>>[vector<16xi32>], vector<16xf32>,
      %mul3A_191 = arith.constant 16 : i32
      %mul3A_192 = arith.muli %add3A_171, %mul3A_191 : i32
      %get3A_193 = arith.index_cast %mul3A_192 : i32 to index
      %get3A_194 = tpu.vector_load %arg4[%get3A_193] {strides = array<i32>} : memref<3328xi32, #tpu.memory_space<vmem>>, vector<16xi32>,
      %mul3A_195 = arith.constant 1000 : i32
      %mul3A_196 = vector.broadcast %mul3A_195 : i32 to vector<16xi32>
      %mul3A_197 = arith.muli %iota3A, %mul3A_196 : vector<16xi32>
      %add3A_198 = arith.addi %mul3A_197, %get3A_194 : vector<16xi32>
      tpu.vector_store_idx %arg7[%add3A_198], %broadcast_in_dim3A_5 : memref<16000xf32, #tpu.memory_space<vmem>>[vector<16xi32>], vector<16xf32>,
      %mul3A_199 = arith.constant 16 : i32
      %mul3A_200 = arith.muli %add3A_171, %mul3A_199 : i32
      %add3A_201 = arith.addi %mul3A_2, %mul3A_200 : i32
      %mul3A_202 = arith.constant 1000 : i32
      %mul3A_203 = arith.muli %add3A_201, %mul3A_202 : i32
      %dma_start3A_204 = tpu.memref_slice %arg3[%mul3A_203] : memref<106496000xf32, #tpu.memory_space<hbm>> -> memref<16000xf32, #tpu.memory_space<hbm>>
      %dma_start3A_205 = tpu.memref_slice %arg3[%mul3A_203] : memref<106496000xf32, #tpu.memory_space<hbm>> -> memref<16000xf32, #tpu.memory_space<hbm>>
      tpu.enqueue_dma source(%arg7 : memref<16000xf32, #tpu.memory_space<vmem>>) target(%dma_start3A_205 : memref<16000xf32, #tpu.memory_space<hbm>>) target_semaphore(%arg11 : memref<!tpu.dma_semaphore, #tpu.memory_space<semaphore_mem>>)
      %add3A_206 = arith.constant 1 : i32
      %add3A_207 = arith.addi %scan3A_86, %add3A_206 : i32
      %mul3A_208 = arith.constant 4 : i32
      %mul3A_209 = arith.muli %add3A_207, %mul3A_208 : i32
      %add3A_210 = arith.constant 3 : i32
      %add3A_211 = arith.addi %mul3A_209, %add3A_210 : i32
      %sub3A_212 = arith.constant 4 : i32
      %sub3A_213 = arith.subi %add3A_211, %sub3A_212 : i32
      %mul3A_214 = arith.constant 16 : i32
      %mul3A_215 = arith.muli %sub3A_213, %mul3A_214 : i32
      %add3A_216 = arith.addi %mul3A_2, %mul3A_215 : i32
      %mul3A_217 = arith.constant 1000 : i32
      %mul3A_218 = arith.muli %add3A_216, %mul3A_217 : i32
      %dma_wait3A_219 = tpu.memref_slice %arg3[%mul3A_218] : memref<106496000xf32, #tpu.memory_space<hbm>> -> memref<16000xf32, #tpu.memory_space<hbm>>
      %dma_wait3A_220 = tpu.memref_slice %arg3[%mul3A_218] : memref<106496000xf32, #tpu.memory_space<hbm>> -> memref<16000xf32, #tpu.memory_space<hbm>>
      tpu.wait_dma2 semaphore(%arg12 : memref<!tpu.dma_semaphore, #tpu.memory_space<semaphore_mem>>) src(%arg8 : memref<16000xf32, #tpu.memory_space<vmem>>) dst(%dma_wait3A_220 : memref<16000xf32, #tpu.memory_space<hbm>>)
      %sub3A_221 = arith.constant 4 : i32
      %sub3A_222 = arith.subi %add3A_211, %sub3A_221 : i32
      %mul3A_223 = arith.constant 16 : i32
      %mul3A_224 = arith.muli %sub3A_222, %mul3A_223 : i32
      %get3A_225 = arith.index_cast %mul3A_224 : i32 to index
      %get3A_226 = tpu.vector_load %arg4[%get3A_225] {strides = array<i32>} : memref<3328xi32, #tpu.memory_space<vmem>>, vector<16xi32>,
      %mul3A_227 = arith.constant 1000 : i32
      %mul3A_228 = vector.broadcast %mul3A_227 : i32 to vector<16xi32>
      %mul3A_229 = arith.muli %iota3A, %mul3A_228 : vector<16xi32>
      %add3A_230 = arith.addi %mul3A_229, %get3A_226 : vector<16xi32>
      tpu.vector_store_idx %arg8[%add3A_230], %broadcast_in_dim3A_3 : memref<16000xf32, #tpu.memory_space<vmem>>[vector<16xi32>], vector<16xf32>,
      %mul3A_231 = arith.constant 16 : i32
      %mul3A_232 = arith.muli %add3A_211, %mul3A_231 : i32
      %get3A_233 = arith.index_cast %mul3A_232 : i32 to index
      %get3A_234 = tpu.vector_load %arg4[%get3A_233] {strides = array<i32>} : memref<3328xi32, #tpu.memory_space<vmem>>, vector<16xi32>,
      %mul3A_235 = arith.constant 1000 : i32
      %mul3A_236 = vector.broadcast %mul3A_235 : i32 to vector<16xi32>
      %mul3A_237 = arith.muli %iota3A, %mul3A_236 : vector<16xi32>
      %add3A_238 = arith.addi %mul3A_237, %get3A_234 : vector<16xi32>
      tpu.vector_store_idx %arg8[%add3A_238], %broadcast_in_dim3A_5 : memref<16000xf32, #tpu.memory_space<vmem>>[vector<16xi32>], vector<16xf32>,
      %mul3A_239 = arith.constant 16 : i32
      %mul3A_240 = arith.muli %add3A_211, %mul3A_239 : i32
      %add3A_241 = arith.addi %mul3A_2, %mul3A_240 : i32
      %mul3A_242 = arith.constant 1000 : i32
      %mul3A_243 = arith.muli %add3A_241, %mul3A_242 : i32
      %dma_start3A_244 = tpu.memref_slice %arg3[%mul3A_243] : memref<106496000xf32, #tpu.memory_space<hbm>> -> memref<16000xf32, #tpu.memory_space<hbm>>
      %dma_start3A_245 = tpu.memref_slice %arg3[%mul3A_243] : memref<106496000xf32, #tpu.memory_space<hbm>> -> memref<16000xf32, #tpu.memory_space<hbm>>
      tpu.enqueue_dma source(%arg8 : memref<16000xf32, #tpu.memory_space<vmem>>) target(%dma_start3A_245 : memref<16000xf32, #tpu.memory_space<hbm>>) target_semaphore(%arg12 : memref<!tpu.dma_semaphore, #tpu.memory_space<semaphore_mem>>)
    }
    %scan3A_62 = arith.constant 51 : i32
    %add3A_63 = arith.constant 3264 : i32
    %add3A_64 = arith.addi %mul3A_2, %add3A_63 : i32
    %mul3A_65 = arith.constant 1000 : i32
    %mul3A_66 = arith.muli %add3A_64, %mul3A_65 : i32
    %dma_wait3A = tpu.memref_slice %arg3[%mul3A_66] : memref<106496000xf32, #tpu.memory_space<hbm>> -> memref<16000xf32, #tpu.memory_space<hbm>>
    %dma_wait3A_67 = tpu.memref_slice %arg3[%mul3A_66] : memref<106496000xf32, #tpu.memory_space<hbm>> -> memref<16000xf32, #tpu.memory_space<hbm>>
    tpu.wait_dma2 semaphore(%arg9 : memref<!tpu.dma_semaphore, #tpu.memory_space<semaphore_mem>>) src(%arg5 : memref<16000xf32, #tpu.memory_space<vmem>>) dst(%dma_wait3A_67 : memref<16000xf32, #tpu.memory_space<hbm>>)
    %add3A_68 = arith.constant 3280 : i32
    %add3A_69 = arith.addi %mul3A_2, %add3A_68 : i32
    %mul3A_70 = arith.constant 1000 : i32
    %mul3A_71 = arith.muli %add3A_69, %mul3A_70 : i32
    %dma_wait3A_72 = tpu.memref_slice %arg3[%mul3A_71] : memref<106496000xf32, #tpu.memory_space<hbm>> -> memref<16000xf32, #tpu.memory_space<hbm>>
    %dma_wait3A_73 = tpu.memref_slice %arg3[%mul3A_71] : memref<106496000xf32, #tpu.memory_space<hbm>> -> memref<16000xf32, #tpu.memory_space<hbm>>
    tpu.wait_dma2 semaphore(%arg10 : memref<!tpu.dma_semaphore, #tpu.memory_space<semaphore_mem>>) src(%arg6 : memref<16000xf32, #tpu.memory_space<vmem>>) dst(%dma_wait3A_73 : memref<16000xf32, #tpu.memory_space<hbm>>)
    %add3A_74 = arith.constant 3296 : i32
    %add3A_75 = arith.addi %mul3A_2, %add3A_74 : i32
    %mul3A_76 = arith.constant 1000 : i32
    %mul3A_77 = arith.muli %add3A_75, %mul3A_76 : i32
    %dma_wait3A_78 = tpu.memref_slice %arg3[%mul3A_77] : memref<106496000xf32, #tpu.memory_space<hbm>> -> memref<16000xf32, #tpu.memory_space<hbm>>
    %dma_wait3A_79 = tpu.memref_slice %arg3[%mul3A_77] : memref<106496000xf32, #tpu.memory_space<hbm>> -> memref<16000xf32, #tpu.memory_space<hbm>>
    tpu.wait_dma2 semaphore(%arg11 : memref<!tpu.dma_semaphore, #tpu.memory_space<semaphore_mem>>) src(%arg7 : memref<16000xf32, #tpu.memory_space<vmem>>) dst(%dma_wait3A_79 : memref<16000xf32, #tpu.memory_space<hbm>>)
    %add3A_80 = arith.constant 3312 : i32
    %add3A_81 = arith.addi %mul3A_2, %add3A_80 : i32
    %mul3A_82 = arith.constant 1000 : i32
    %mul3A_83 = arith.muli %add3A_81, %mul3A_82 : i32
    %dma_wait3A_84 = tpu.memref_slice %arg3[%mul3A_83] : memref<106496000xf32, #tpu.memory_space<hbm>> -> memref<16000xf32, #tpu.memory_space<hbm>>
    %dma_wait3A_85 = tpu.memref_slice %arg3[%mul3A_83] : memref<106496000xf32, #tpu.memory_space<hbm>> -> memref<16000xf32, #tpu.memory_space<hbm>>
    tpu.wait_dma2 semaphore(%arg12 : memref<!tpu.dma_semaphore, #tpu.memory_space<semaphore_mem>>) src(%arg8 : memref<16000xf32, #tpu.memory_space<vmem>>) dst(%dma_wait3A_85 : memref<16000xf32, #tpu.memory_space<hbm>>)
    return
  }
}

</mosaic_0001>

<sc_bundles>
// kernel: kernel.3.cloned.1.call-start
scs
__scs_entry_jumppad:
0x0: {  	(pc) =	sbr.rel $0x88, $3  }
0x1: {  	(tag) =	ssettag $0x0;
	lr =	simm.s32 $0x1  }
0x2: {  	[smem:$0x3FA0] =	sst lr;
	_ =	strace $0xD0000000  }
0x3: {  	_ = 	snop  }
0x4: {  	_ = 	snop  }
0x5: {  	_ = 	snop  }
0x6: {  	_ = 	snop  }
0x7: {  	_ = 	snop  }
__scs_overlays_trampoline_lowered:
0x8: {  	[smem:$0x3FAF] =	sst s0  }
0x9: {  	[smem:$0x3FB0] =	sst s1  }
0xa: {  	[smem:$0x3FB1] =	sst s2  }
0xb: {  	[smem:$0x3FB2] =	sst s3  }
0xc: {  	[smem:$0x3FB3] =	sst s4  }
0xd: {  	[smem:$0x3FB4] =	sst s5  }
0xe: {  	[smem:$0x3FB5] =	sst s6  }
0xf: {  	[smem:$0x3FB6] =	sst s7  }
0x10: {  	[smem:$0x3FB7] =	sst s8  }
0x11: {  	[smem:$0x3FB8] =	sst s9;
	s0 =	simm.s32 @!p0 $0x0  }
0x12: {  	s1 =	sld [smem:$0x3F9E];
	s0 =	simm.s32 @p0 $0x1  }
0x13: {  	[smem:$0x3FB9] =	sst s0;
	s0 =	simm.s32 @!p1 $0x0  }
0x14: {  	s2 =	sld [smem:$0x3F9D];
	s0 =	simm.s32 @p1 $0x1  }
0x15: {  	[smem:$0x3FBA] =	sst s0;
	s0 =	simm.s32 @!p2 $0x0  }
0x16: {  	s3 =	sld [smem:$0x3FDB];
	s0 =	simm.s32 @p2 $0x1  }
0x17: {  	s4 =	simm.s32 $0x1BF5;
	[smem:$0x3FBC] =	sst s0  }
0x18: {  	s0 =	sld [smem:$0x3F9F];
	_ =	swait.ge [sflag:s4], $0x0  }
0x19: {  	s7 =	sld [smem:$0x3FA0]  }
0x1a: {  	s8 =	sadd.s32 $0xFFFFE003, lr  }
0x1b: {  	s9 =	sadd.s32 $0xFFFFFEF7, lr;
	s5 =	simm.s32 $0xFFFFFFFF;
	p2 =	slt.u32 s8, $0xFFFFF086  }
0x1c: {  	p1 =	slt.u32 s9, $0xF7A;
	s5 =	simm.s32 @!p2 $0x0  }
0x1d: {  	s5 =	simm.s32 @p1 $0x1;
	p0 =	seq.s32 s7, s2  }
0x1e: {  	s7 =	smul.u32 @!p0 $0xF7A, s2;
	p2 =	seq.s32 @!p0 s5, $0x0  }
0x1f: {  	s9 =	smul.u32 $0xF7A, s1;
	s8 =	simm.s32 @!p0 $0x1BF5;
	p2 =	por !p2, p0  }
0x20: {  	[sflag:s8] =	ssyncset.s32 @!p0 $0xFFFFF086;
	s6 =	sadd.s32 @!p0 s3, s7;
	s7 =	simm.s32 @!p0 $0x108  }
0x21: {  	s3 =	sadd.s32 s3, s9;
	s6 =	sadd.s32 @!p0 $0x88, s6;
	s7 =	simm.s32 @p2 $0x1082  }
0x22: {  	[simem:s7], [sflag:s8] =	dma.local @!p0 [hbm:s6], $0xF7A  }
0x23: {  	s9 =	sor.u32 $0xD0000000, s2;
	s6 =	simm.s32 $0x108;
	_ =	swait.ge @!p0 [sflag:s8], $0x0  }
0x24: {  	s3 =	sadd.s32 $0x88, s3;
	s6 =	simm.s32 @!p1 $0x1082;
	[sflag:s4] =	ssyncset.s32 $0xFFFFF086  }
0x25: {  	[simem:s6], [sflag:s4] =	dma.local [hbm:s3], $0xF7A  }
0x26: {  	[smem:$0x3FA0] =	sst s1;
	(tag) =	ssettag s2;
	_ =	strace s9  }
0x27: {  	s1 =	sld [smem:$0x3FB0]  }
0x28: {  	s2 =	sld [smem:$0x3FB1]  }
0x29: {  	s4 =	sld [smem:$0x3FB3]  }
0x2a: {  	p0 =	seq.s32 s5, $0x0;
	s5 =	sld [smem:$0x3FB4]  }
0x2b: {  	s6 =	sld [smem:$0x3FB5]  }
0x2c: {  	s7 =	sld [smem:$0x3FB6]  }
0x2d: {  	s3 =	simm.s32 $0x108;
	s8 =	sld [smem:$0x3FB7]  }
0x2e: {  	s3 =	simm.s32 @!p0 $0x1082;
	s9 =	sld [smem:$0x3FB8]  }
0x2f: {  	lr =	sadd.s32 s0, s3;
	s0 =	sld [smem:$0x3FAF]  }
0x30: {  	s3 =	sld [smem:$0x3FB2]  }
0x31: {  	[smem:$0x3FBB] =	sst s10  }
0x32: {  	s10 =	sld [smem:$0x3FB9];
	_ =	sdelay $0x3  }
0x33: {  	p0 =	seq.s32 s10, $0x1;
	s10 =	sld [smem:$0x3FBB];
	_ =	sdelay $0x3  }
0x34: {  	[smem:$0x3FBB] =	sst s10  }
0x35: {  	s10 =	sld [smem:$0x3FBA];
	_ =	sdelay $0x3  }
0x36: {  	p1 =	seq.s32 s10, $0x1;
	s10 =	sld [smem:$0x3FBB];
	_ =	sdelay $0x3  }
0x37: {  	[smem:$0x3FBB] =	sst s10  }
0x38: {  	s10 =	sld [smem:$0x3FBC]  }
0x39: {  	_ = 	snop;
	(pc) =	sbr.ind lr, $3  }
0x3a: {  	_ = 	snop  }
0x3b: {  	_ = 	snop  }
0x3c: {  	p2 =	seq.s32 s10, $0x1;
	s10 =	sld [smem:$0x3FBB]  }
0x3d: {  	_ =	shalt  }
0x3e: {  	_ =	shalt  }
0x3f: {  	_ =	shalt  }
0x40: {  	_ =	shalt  }
0x41: {  	_ =	shalt  }
0x42: {  	_ =	shalt  }
0x43: {  	_ =	shalt  }
0x44: {  	_ =	shalt  }
0x45: {  	_ =	shalt  }
0x46: {  	_ =	shalt  }
0x47: {  	_ =	shalt  }
0x48: {  	_ =	shalt  }
0x49: {  	_ =	shalt  }
0x4a: {  	_ =	shalt  }
0x4b: {  	_ =	shalt  }
0x4c: {  	_ =	shalt  }
0x4d: {  	_ =	shalt  }
0x4e: {  	_ =	shalt  }
0x4f: {  	_ =	shalt  }
0x50: {  	_ =	shalt  }
0x51: {  	_ =	shalt  }
0x52: {  	_ =	shalt  }
0x53: {  	_ =	shalt  }
0x54: {  	_ =	shalt  }
0x55: {  	_ =	shalt  }
0x56: {  	_ =	shalt  }
0x57: {  	_ =	shalt  }
0x58: {  	_ =	shalt  }
0x59: {  	_ =	shalt  }
0x5a: {  	_ =	shalt  }
0x5b: {  	_ =	shalt  }
0x5c: {  	_ =	shalt  }
0x5d: {  	_ =	shalt  }
0x5e: {  	_ =	shalt  }
0x5f: {  	_ =	shalt  }
0x60: {  	_ =	shalt  }
0x61: {  	_ =	shalt  }
0x62: {  	_ =	shalt  }
0x63: {  	_ =	shalt  }
0x64: {  	_ =	shalt  }
0x65: {  	_ =	shalt  }
0x66: {  	_ =	shalt  }
0x67: {  	_ =	shalt  }
0x68: {  	_ =	shalt  }
0x69: {  	_ =	shalt  }
0x6a: {  	_ =	shalt  }
0x6b: {  	_ =	shalt  }
0x6c: {  	_ =	shalt  }
0x6d: {  	_ =	shalt  }
0x6e: {  	_ =	shalt  }
0x6f: {  	_ =	shalt  }
0x70: {  	_ =	shalt  }
0x71: {  	_ =	shalt  }
0x72: {  	_ =	shalt  }
0x73: {  	_ =	shalt  }
0x74: {  	_ =	shalt  }
0x75: {  	_ =	shalt  }
0x76: {  	_ =	shalt  }
0x77: {  	_ =	shalt  }
0x78: {  	_ =	shalt  }
0x79: {  	_ =	shalt  }
0x7a: {  	_ =	shalt  }
0x7b: {  	_ =	shalt  }
0x7c: {  	_ =	shalt  }
0x7d: {  	_ =	shalt  }
0x7e: {  	_ =	shalt  }
0x7f: {  	_ =	shalt  }
0x80: {  	_ =	shalt  }
0x81: {  	_ =	shalt  }
0x82: {  	_ =	shalt  }
0x83: {  	_ =	shalt  }
0x84: {  	_ =	shalt  }
0x85: {  	_ =	shalt  }
0x86: {  	_ =	shalt  }
0x87: {  	_ =	shalt  }
.Lfunc_end0:
.L_simem_size_0:
called_computation.1_lowered:
.L_overlay_start_0:
0x88: {  	s2 =	sld [smem:$0x3FD9]  }
0x89: {  	s3 =	sld [smem:$0x3FFE];
	_ =	sdelay $0x1  }
0x8a: {  	s1 =	srdreg.scid  }
0x8b: {  	s0 =	sand.u32 $0x1, s1  }
0x8c: {  	s17 =	sshll.u32 s0, $0xA;
	s2 =	sadd.s32 s3, s2  }
0x8d: {  	s2 =	sadd.s32 s2, s17  }
0x8e: {  	[smem:$0x3FC7] =	sst s2  }
0x8f: {  	_ = 	snop  }
0x90: {  	s2 =	sld [smem:$0x3FD0];
	(tm) =	ssettm $0x1  }
0x91: {  	s18 =	sld [smem:$0x3FFB];
	_ =	sdelay $0x3  }
0x92: {  	_ =	strace s18  }
0x93: {  	s3 =	sld [smem:$0x3FFC];
	_ =	sdelay $0x3  }
0x94: {  	_ =	strace s3  }
0x95: {  	s3 =	sld [smem:$0x3FFD];
	_ =	sdelay $0x3  }
0x96: {  	_ =	strace s3  }
0x97: {  	_ =	strace $0x8FFFFFFF  }
0x98: {  	s19 =	sld [smem:$0x3FDB];
	_ =	sdelay $0x1  }
0x99: {  	s4 =	simm.s32 $_scs_section_size  }
0x9a: {  	s5 =	simm.s32 $_size__tile_overlayer_lowered;
	s6 =	simm.s32 $_tile_overlayer_lowered  }
0x9b: {  	s22 =	simm.s32 $0x1BFF;
	s21 =	sshll.u32 s6, $0x1;
	s3 =	sadd.s32 s4, s19  }
0x9c: {  	s7 =	simm.s32 $0x0;
	s20 =	sshll.u32 s5, $0x1;
	s5 =	sadd.s32 s21, s3  }
0x9d: {  	[timem:s7], [sflag:s22] =	dma.local [hbm:s5], s20  }
0x9e: {  	_ =	swait.ge [sflag:s22], s20  }
0x9f: {  	s4 =	ssub.s32 $0x0, s20;
	[sflag:s22] =	ssyncset.done $0x0  }
0xa0: {  	[sflag:s22] =	ssyncadd.s32 s4;
	_ =	sdelay $0x1  }
0xa1: {  	s23 =	simm.s32 $0x1B8B  }
0xa2: {  	_ =	swait.ge [sflag:s23], $0x1  }
0xa3: {  	[sflag:s23] =	ssyncset.done $0x0  }
0xa4: {  	s25 =	simm.s32 $0x1B8E;
	s24 =	sld [smem:$0x3FFE];
	[sflag:s23] =	ssyncadd.s32 $0xFFFFFFFF  }
0xa5: {  	s26 =	simm.s32 $execute0_lowered;
	[smem:$0x3FD2] =	sst s25  }
0xa6: {  	s5 =	sshll.u32 s26, $0x1;
	_ =	strace $0x80000046;
	[dreg:$0x1] =	wrdreg $0xFFFFFFFF  }
0xa7: {  	s28 =	simm.s32 $_size_execute0_lowered;
	s3 =	sadd.s32 s3, s5;
	[dreg:$0x0] =	wrdreg $0x0  }
0xa8: {  	s5 =	sshll.u32 s28, $0x1;
	[dreg:$0x2] =	wrdreg s3  }
0xa9: {  	[dreg:$0x3] =	wrdreg s5  }
0xaa: {  	[dreg:$0x4] =	wrdreg $0xC0  }
0xab: {  	_ =	task [dreg:s7], $0x5FFFF  }
0xac: {  	[dreg:$0x1] =	wrdreg $0xFFFFFFFF  }
0xad: {  	[dreg:$0x0] =	wrdreg $0x60  }
0xae: {  	[dreg:$0x2] =	wrdreg s24  }
0xaf: {  	[dreg:$0x3] =	wrdreg s2  }
0xb0: {  	[dreg:$0x4] =	wrdreg $0x9  }
0xb1: {  	_ =	task.clear_ibuf [dreg:s7], $0x5FFFF;
	_ =	strace $0x90000046  }
0xb2: {  	s29 =	simm.s32 $0x9;
	_ =	strace $0x80000048  }
0xb3: {  	_ =	swait.ge [sflag:s29], $0x1  }
0xb4: {  	[sflag:s29] =	ssyncadd.s32 $0xFFFFFFFF  }
0xb5: {  	_ =	strace $0x90000048  }
0xb6: {  	_ =	sfence  }
0xb7: {  	s30 =	sld [smem:$0x0];
	_ =	sdelay $0x2  }
0xb8: {  	s31 =	sshll.u32 s1, $0xD;
	s1 =	sshrl.u32 s1, $0x2  }
0xb9: {  	s3 =	sand.u32 $0x4000, s31;
	s1 =	sadd.s32 s1, s30  }
0xba: {  	s0 =	sor.u32 s3, s0;
	s1 =	sshll.u32 s1, $0x11  }
0xbb: {  	s0 =	sor.u32 s1, s0  }
0xbc: {  	s0 =	sadd.s32 $0x8F2B, s0  }
0xbd: {  	[sflag:s0] =	ssyncadd.remote.s32 $0x1  }
0xbe: {  	_ =	sfence.sel $0xFFFF  }
0xbf: {  	[dreg:$0x0] =	wrdreg $0xFFFFFFFF;
	(pc) =	sbr.abs _section_cstart, $3  }
0xc0: {  	[dreg:$0x1] =	wrdreg $0xFFFFFFFF  }
0xc1: {  	_ =	task.clear_ibuf [dreg:s7], $0x2FFFF;
	_ =	strace $0x9FFFFFFF  }
0xc2: {  	(tm) =	ssettm $0x7FFFFFFF  }
0xc3: {  	_ =	shalt  }
tec
execute0_lowered:
.L_overlay_start_1:
0x0: {  	(tag) =	ssettag $0x1  }
0x1: {  	s1 =	srdreg.scid;
	s3 =	rddreg [dreg:$0x0]  }
0x2: {  	s0 =	stileid.u32;
	s8 =	rddreg [dreg:$0x1];
	s2 =	simm.s32 $0x0  }
0x3: {  	s12 =	simm.s32 $0x4B80;
	s13 =	simm.s32 $0x8A00;
	s14 =	simm.s32 $0xC880  }
0x4: {  	s15 =	simm.s32 $0x1;
	s16 =	simm.s32 $0x2;
	s17 =	simm.s32 $0x3  }
0x5: {  	s6 =	sand.u32 $0x1, s1;
	s26 =	sshll.u32 s0, $0x1;
	s31 =	smul.u32 $0xCB200, s0  }
0x6: {  	s18 =	simm.s32 $0x4;
	s4 =	sor.u32 s6, s26;
	s11 =	smul.u32 $0x65900, s6  }
0x7: {  	s19 =	simm.s32 $0x0;
	s1 =	rddreg [dreg:$0x2];
	s5 =	smul.u32 $0xD00, s4  }
0x8: {  	[smem:$0x7FF] =	sst s2;
	s7 =	ssub.s32 $0x2, s6;
	s9 =	smul.u32 $0x32C800, s4  }
0x9: {  	_ =	strace $0x80000047;
	s28 =	sshrl.u32 s7, $0x1;
	s4 =	smul.u32 $0x65900, s4  }
0xa: {  	s10 =	ssub.s32 s7, s28;
	s5 =	sshrl.u32 s5, $0x3;
	s29 =	sshrl.u32 s9, $0x3  }
0xb: {  	s4 =	sadd.s32 s8, s4;
	s9 =	sadd.s32 s31, s8;
	s3 =	sadd.s32 s5, s3  }
0xc: {  	s30 =	sadd.s32 s8, s29;
	s8 =	smax.u32 s10, $0x1;
	s9 =	sadd.s32 s11, s9  }
0xd: {  	v1 =	vlaneseq.u32;
	s10 =	simm.s32 $0x5;
	s11 =	simm.s32 $0xD00;
	s3 =	sadd.s32 $0x800, s3  }
0xe: {  	v0 =	vimm.f32 $0.0e+00;
	v2 =	vimm.f32 $1.000000000e+00;
	v1 =	vmul.u32 $0x3E8, v1;
	s5 =	sadd.s32 $0x7D0, s30;
	s6 =	sadd.s32 $0xFA0, s30;
	s7 =	sadd.s32 $0x1770, s30  }
.LBB2_1:
0xf: {  	[tilespmem:s2], [sflag:$0x5] =	stream.linear.gather [hbm4b:s3+s2], $0xD00, $0x38;
	[tilespmem:$0x10700] =	vst v63  }
0x10: {  	_ =	swait.ge [sflag:s10], $0xD00  }
0x11: {  	[sflag:s10] =	ssyncset.done $0x0  }
0x12: {  	s21 =	simm.s32 $0x40;
	s20 =	simm.s32 $0x0;
	[sflag:s10] =	ssyncadd.s32 $0xFFFFF300  }
.LBB2_2:
0x13: {  	p0 =	sne.s32 s21, $0xF9C0;
	[tilespmem:s20+$0xC880] =	vst v0;
	s22 =	smov.u32 s21;
	s21 =	sadd.s32 $0x40, s21  }
.Ltmp0:
0x14: {  	[tilespmem:s20+$0x8A00] =	vst v0;
	(pc) =	sbr.rel @p0 .LBB2_2-.Ltmp0, $3  }
0x15: {  	[tilespmem:s20+$0xD00] =	vst v0  }
0x16: {  	[tilespmem:s20+$0x4B80] =	vst v0;
	_ =	sdelay $0x1  }
0x17: {  	s20 =	sshra.s32 s22, $0x2  }
0x18: {  	[tilespmem:s20+$0xC880] =	vst v0  }
0x19: {  	[tilespmem:s20+$0x8A00] =	vst v0  }
0x1a: {  	[tilespmem:s20+$0xD00] =	vst v0  }
0x1b: {  	[tilespmem:s20+$0x4B80] =	vst v0  }
0x1c: {  	v3 =	vld [tilespmem:$0x0];
	_ =	sdelay $0x4  }
0x1d: {  	v3 =	vadd.s32 v1, v3;
	_ =	sdelay $0x4  }
0x1e: {  	s20 =	simm.s32 $0x0;
	[tilespmem:v3+s11+$0x0] =	vst.idx.msk $0xffff, v2  }
0x1f: {  	[hbm4b:s4+s20] =	stream.linear.scatter [tilespmem:s11], [sflag:$0x1], $0x3E80, $0x38;
	[tilespmem:$0x10700] =	vst v63  }
0x20: {  	v3 =	vld [tilespmem:$0x10];
	_ =	sdelay $0x4  }
0x21: {  	v3 =	vadd.s32 v1, v3;
	_ =	sdelay $0x4  }
0x22: {  	[tilespmem:v3+s12+$0x0] =	vst.idx.msk $0xffff, v2  }
0x23: {  	[hbm4b:s5+s20] =	stream.linear.scatter [tilespmem:s12], [sflag:$0x2], $0x3E80, $0x38;
	[tilespmem:$0x10700] =	vst v63  }
0x24: {  	v3 =	vld [tilespmem:$0x20];
	_ =	sdelay $0x4  }
0x25: {  	v3 =	vadd.s32 v1, v3;
	_ =	sdelay $0x4  }
0x26: {  	[tilespmem:v3+s13+$0x0] =	vst.idx.msk $0xffff, v2  }
0x27: {  	[hbm4b:s6+s20] =	stream.linear.scatter [tilespmem:s13], [sflag:$0x3], $0x3E80, $0x38;
	[tilespmem:$0x10700] =	vst v63  }
0x28: {  	v3 =	vld [tilespmem:$0x30];
	_ =	sdelay $0x4  }
0x29: {  	v3 =	vadd.s32 v1, v3;
	_ =	sdelay $0x4  }
0x2a: {  	s21 =	simm.s32 $0x40;
	[tilespmem:v3+s14+$0x0] =	vst.idx.msk $0xffff, v2  }
0x2b: {  	[hbm4b:s7+s20] =	stream.linear.scatter [tilespmem:s14], [sflag:$0x4], $0x3E80, $0x38;
	[tilespmem:$0x10700] =	vst v63  }
.LBB2_4:
0x2c: {  	_ =	swait.ge [sflag:s15], $0x3E80  }
0x2d: {  	[sflag:s15] =	ssyncset.done $0x0  }
0x2e: {  	[sflag:s15] =	ssyncadd.s32 $0xFFFFC180  }
0x2f: {  	v3 =	vld [tilespmem:s21+$0xFFFFFFC0];
	_ =	sdelay $0x4  }
0x30: {  	v3 =	vadd.s32 v1, v3;
	_ =	sdelay $0x4  }
0x31: {  	[tilespmem:v3+s11+$0x0] =	vst.idx.msk $0xffff, v0  }
0x32: {  	v3 =	vld [tilespmem:s21+$0x0];
	_ =	sdelay $0x4  }
0x33: {  	v3 =	vadd.s32 v1, v3;
	_ =	sdelay $0x3  }
0x34: {  	s22 =	sadd.s32 s20, s9  }
0x35: {  	s23 =	sadd.s32 $0x1F40, s22;
	[tilespmem:v3+s11+$0x0] =	vst.idx.msk $0xffff, v2  }
0x36: {  	[hbm4b:s23+s2] =	stream.linear.scatter [tilespmem:s11], [sflag:$0x1], $0x3E80, $0x38;
	[tilespmem:$0x10700] =	vst v63  }
0x37: {  	_ =	swait.ge [sflag:s16], $0x3E80  }
0x38: {  	[sflag:s16] =	ssyncset.done $0x0  }
0x39: {  	[sflag:s16] =	ssyncadd.s32 $0xFFFFC180  }
0x3a: {  	v3 =	vld [tilespmem:s21+$0xFFFFFFD0];
	_ =	sdelay $0x4  }
0x3b: {  	v3 =	vadd.s32 v1, v3;
	_ =	sdelay $0x4  }
0x3c: {  	[tilespmem:v3+s12+$0x0] =	vst.idx.msk $0xffff, v0  }
0x3d: {  	v3 =	vld [tilespmem:s21+$0x10];
	_ =	sdelay $0x4  }
0x3e: {  	v3 =	vadd.s32 v1, v3;
	_ =	sdelay $0x4  }
0x3f: {  	s30 =	sadd.s32 $0x2710, s22;
	[tilespmem:v3+s12+$0x0] =	vst.idx.msk $0xffff, v2  }
0x40: {  	[hbm4b:s30+s2] =	stream.linear.scatter [tilespmem:s12], [sflag:$0x2], $0x3E80, $0x38;
	[tilespmem:$0x10700] =	vst v63  }
0x41: {  	_ =	swait.ge [sflag:s17], $0x3E80  }
0x42: {  	[sflag:s17] =	ssyncset.done $0x0  }
0x43: {  	[sflag:s17] =	ssyncadd.s32 $0xFFFFC180  }
0x44: {  	v3 =	vld [tilespmem:s21+$0xFFFFFFE0];
	_ =	sdelay $0x4  }
0x45: {  	v3 =	vadd.s32 v1, v3;
	_ =	sdelay $0x4  }
0x46: {  	[tilespmem:v3+s13+$0x0] =	vst.idx.msk $0xffff, v0  }
0x47: {  	v3 =	vld [tilespmem:s21+$0x20];
	_ =	sdelay $0x4  }
0x48: {  	v3 =	vadd.s32 v1, v3;
	_ =	sdelay $0x4  }
0x49: {  	s31 =	sadd.s32 $0x2EE0, s22;
	[tilespmem:v3+s13+$0x0] =	vst.idx.msk $0xffff, v2  }
0x4a: {  	[hbm4b:s31+s2] =	stream.linear.scatter [tilespmem:s13], [sflag:$0x3], $0x3E80, $0x38;
	[tilespmem:$0x10700] =	vst v63  }
0x4b: {  	_ =	swait.ge [sflag:s18], $0x3E80  }
0x4c: {  	[sflag:s18] =	ssyncset.done $0x0  }
0x4d: {  	[sflag:s18] =	ssyncadd.s32 $0xFFFFC180  }
0x4e: {  	v3 =	vld [tilespmem:s21+$0xFFFFFFF0];
	_ =	sdelay $0x4  }
0x4f: {  	v3 =	vadd.s32 v1, v3;
	_ =	sdelay $0x4  }
0x50: {  	[tilespmem:v3+s14+$0x0] =	vst.idx.msk $0xffff, v0  }
0x51: {  	v3 =	vld [tilespmem:s21+$0x30];
	_ =	sdelay $0x4  }
0x52: {  	v3 =	vadd.s32 v1, v3  }
0x53: {  	p0 =	sne.s32 s20, $0x61A80  }
.Ltmp1:
0x54: {  	_ = 	snop;
	(pc) =	sbr.rel @p0 .LBB2_4-.Ltmp1, $3  }
0x55: {  	_ =	sdelay $0x1  }
0x56: {  	s20 =	sadd.s32 $0x1F40, s20;
	s22 =	sadd.s32 $0x36B0, s22;
	s21 =	sadd.s32 $0x40, s21;
	[tilespmem:v3+s14+$0x0] =	vst.idx.msk $0xffff, v2  }
0x57: {  	[hbm4b:s22+s2] =	stream.linear.scatter [tilespmem:s14], [sflag:$0x4], $0x3E80, $0x38;
	[tilespmem:$0x10700] =	vst v63  }
0x58: {  	_ =	swait.ge [sflag:s15], $0x3E80  }
0x59: {  	[sflag:s15] =	ssyncset.done $0x0  }
0x5a: {  	[sflag:s15] =	ssyncadd.s32 $0xFFFFC180  }
0x5b: {  	_ =	swait.ge [sflag:s16], $0x3E80  }
0x5c: {  	[sflag:s16] =	ssyncset.done $0x0  }
0x5d: {  	s19 =	sadd.s32 $0x1, s19;
	[sflag:s16] =	ssyncadd.s32 $0xFFFFC180  }
0x5e: {  	p0 =	sne.s32 s19, s8;
	_ =	swait.ge [sflag:s17], $0x3E80  }
.Ltmp2:
0x5f: {  	[sflag:s17] =	ssyncset.done $0x0;
	(pc) =	sbr.rel @p0 .LBB2_1-.Ltmp2, $4  }
0x60: {  	[sflag:s17] =	ssyncadd.s32 $0xFFFFC180  }
0x61: {  	_ =	swait.ge [sflag:s18], $0x3E80  }
0x62: {  	[sflag:s18] =	ssyncset.done $0x0  }
0x63: {  	[sflag:s18] =	ssyncadd.s32 $0xFFFFC180  }
0x64: {  	_ =	sfence.sel $0x180000  }
0x65: {  	[bflag:$0x0] =	sbarrier.arrive $0xFFFF  }
0x66: {  	p0 =	sne.s32 s0, $0x0;
	_ =	strace $0x90000047  }
0x67: {  	s0 =	sadd.s32 @!p0 $0x100000, s1;
	[bflag:$0x2] =	sbarrier.arrive $0xFFFF  }
0x68: {  	[sflag:s0] =	ssyncadd.tile.s32 @!p0 $0x1;
	_ =	shalt  }
.Lfunc_end2:
_tile_overlayer_lowered:
.L_overlay_start_2:
0x69: {  	(tag) =	ssettag $0x2  }
0x6a: {  	s0 =	rddreg [dreg:$0x0];
	s2 =	stileid.u32  }
0x6b: {  	s1 =	rddreg [dreg:$0x1];
	p0 =	sne.s32 s2, $0x0  }
0x6c: {  	s3 =	rddreg [dreg:$0x2];
	[bflag:$0x3] =	sbarrier.arrive $0xFFFF;
	s2 =	simm.s32 @!p0 $0x1C05  }
0x6d: {  	[timem:s3], [sflag:s2] =	dma.local @!p0 [hbm:s0], s1  }
0x6e: {  	s0 =	simm.s32 @!p0 $0x5  }
0x6f: {  	_ =	swait.ge @!p0 [sflag:s0], s1  }
0x70: {  	s1 =	ssub.s32 @!p0 $0x0, s1;
	[sflag:s0] =	ssyncset.done @!p0 $0x0  }
0x71: {  	[sflag:s0] =	ssyncadd.s32 @!p0 s1  }
0x72: {  	[bflag:$0x3] =	sbarrier.arrive $0xFFFF  }
0x73: {  	_ =	shalt  }

// kernel: sparse-core-data-format-call.cloned.1.call-start
scs
called_computation_lowered:
.L_overlay_start_0:
0x0: {  	s2 =	sld [smem:$0x3FD9]  }
0x1: {  	s3 =	sld [smem:$0x3FFE];
	_ =	sdelay $0x1  }
0x2: {  	s1 =	srdreg.scid  }
0x3: {  	s0 =	sand.u32 $0x1, s1  }
0x4: {  	s18 =	sshll.u32 s0, $0xA;
	s2 =	sadd.s32 s3, s2  }
0x5: {  	s2 =	sadd.s32 s2, s18  }
0x6: {  	[smem:$0x3FC7] =	sst s2  }
0x7: {  	_ = 	snop  }
0x8: {  	s2 =	sld [smem:$0x3FD0];
	(tm) =	ssettm $0x1  }
0x9: {  	s19 =	sld [smem:$0x3FFB];
	_ =	sdelay $0x3  }
0xa: {  	_ =	strace s19  }
0xb: {  	s3 =	sld [smem:$0x3FFC];
	_ =	sdelay $0x3  }
0xc: {  	_ =	strace s3  }
0xd: {  	s3 =	sld [smem:$0x3FFD];
	_ =	sdelay $0x3  }
0xe: {  	_ =	strace s3  }
0xf: {  	_ =	strace $0x8FFFFFFF  }
0x10: {  	s20 =	sld [smem:$0x3FDB];
	_ =	sdelay $0x1  }
0x11: {  	s4 =	simm.s32 $_scs_section_size  }
0x12: {  	s5 =	simm.s32 $_size__tile_overlayer_lowered;
	s6 =	simm.s32 $_tile_overlayer_lowered  }
0x13: {  	s23 =	simm.s32 $0x1BFF;
	s22 =	sshll.u32 s6, $0x1;
	s3 =	sadd.s32 s4, s20  }
0x14: {  	s7 =	simm.s32 $0x0;
	s21 =	sshll.u32 s5, $0x1;
	s5 =	sadd.s32 s22, s3  }
0x15: {  	[timem:s7], [sflag:s23] =	dma.local [hbm:s5], s21  }
0x16: {  	_ =	swait.ge [sflag:s23], s21  }
0x17: {  	s4 =	ssub.s32 $0x0, s21;
	[sflag:s23] =	ssyncset.done $0x0  }
0x18: {  	[sflag:s23] =	ssyncadd.s32 s4;
	_ =	sdelay $0x1  }
0x19: {  	s24 =	simm.s32 $0x1B8B  }
0x1a: {  	_ =	swait.ge [sflag:s24], $0x1  }
0x1b: {  	[sflag:s24] =	ssyncset.done $0x0  }
0x1c: {  	s26 =	simm.s32 $0x1B8E;
	s25 =	sld [smem:$0x3FFE];
	[sflag:s24] =	ssyncadd.s32 $0xFFFFFFFF  }
0x1d: {  	s27 =	simm.s32 $execute0_lowered;
	[smem:$0x3FD2] =	sst s26  }
0x1e: {  	s5 =	sshll.u32 s27, $0x1;
	_ =	strace $0x80000049;
	[dreg:$0x1] =	wrdreg $0xFFFFFFFF  }
0x1f: {  	s28 =	simm.s32 $_size_execute0_lowered;
	s3 =	sadd.s32 s3, s5;
	[dreg:$0x0] =	wrdreg $0x0  }
0x20: {  	s5 =	sshll.u32 s28, $0x1;
	[dreg:$0x2] =	wrdreg s3  }
0x21: {  	[dreg:$0x3] =	wrdreg s5  }
0x22: {  	[dreg:$0x4] =	wrdreg $0xC0  }
0x23: {  	_ =	task [dreg:s7], $0x5FFFF  }
0x24: {  	[dreg:$0x1] =	wrdreg $0xFFFFFFFF  }
0x25: {  	[dreg:$0x0] =	wrdreg $0x60  }
0x26: {  	[dreg:$0x2] =	wrdreg s25  }
0x27: {  	[dreg:$0x3] =	wrdreg s2  }
0x28: {  	[dreg:$0x4] =	wrdreg $0x9  }
0x29: {  	_ =	task.clear_ibuf [dreg:s7], $0x5FFFF;
	_ =	strace $0x90000049  }
0x2a: {  	s29 =	simm.s32 $0x9;
	_ =	strace $0x8000004B  }
0x2b: {  	_ =	swait.ge [sflag:s29], $0x1  }
0x2c: {  	[sflag:s29] =	ssyncadd.s32 $0xFFFFFFFF  }
0x2d: {  	_ =	strace $0x9000004B  }
0x2e: {  	_ =	sfence  }
0x2f: {  	s30 =	sld [smem:$0x0];
	_ =	sdelay $0x2  }
0x30: {  	s31 =	sshll.u32 s1, $0xD;
	s1 =	sshrl.u32 s1, $0x2  }
0x31: {  	s3 =	sand.u32 $0x4000, s31;
	s1 =	sadd.s32 s1, s30  }
0x32: {  	s0 =	sor.u32 s3, s0;
	s1 =	sshll.u32 s1, $0x11  }
0x33: {  	s0 =	sor.u32 s1, s0  }
0x34: {  	s0 =	sadd.s32 $0x8F2B, s0  }
0x35: {  	[sflag:s0] =	ssyncadd.remote.s32 $0x1  }
0x36: {  	_ =	sfence.sel $0xFFFF  }
0x37: {  	[dreg:$0x0] =	wrdreg $0xFFFFFFFF;
	(pc) =	sbr.abs _section_cstart, $3  }
0x38: {  	[dreg:$0x1] =	wrdreg $0xFFFFFFFF  }
0x39: {  	_ =	task.clear_ibuf [dreg:s7], $0x2FFFF;
	_ =	strace $0x9FFFFFFF  }
0x3a: {  	(tm) =	ssettm $0x7FFFFFFF  }
0x3b: {  	_ =	shalt  }
tec
execute0_lowered:
.L_overlay_start_1:
0x0: {  	(tag) =	ssettag $0x1  }
0x1: {  	s0 =	srdreg.scid;
	s6 =	rddreg [dreg:$0x0]  }
0x2: {  	s3 =	rddreg [dreg:$0x1];
	s1 =	sshll.u32 s0, $0x4  }
0x3: {  	s5 =	simm.s32 $0x1;
	s0 =	stileid.u32;
	s1 =	sand.u32 $0x10, s1  }
0x4: {  	s31 =	simm.s32 $0x2;
	s16 =	simm.s32 $0x0;
	s1 =	sor.u32 s0, s1  }
0x5: {  	s8 =	simm.s32 $0x8000;
	s18 =	simm.s32 $0x0;
	s2 =	sshll.u32 s1, $0x7  }
0x6: {  	s17 =	simm.s32 $0x0;
	s9 =	simm.s32 $0x0;
	s4 =	ssub.s32 $0x1000, s2  }
0x7: {  	s10 =	simm.s32 $0x0;
	s11 =	simm.s32 $0x0;
	s30 =	sand.u32 $0xF80, s4  }
0x8: {  	s12 =	simm.s32 $0x0;
	s13 =	simm.s32 $0x0;
	p0 =	sne.s32 s30, $0x0  }
.Ltmp0:
0x9: {  	s7 =	sshrl.u32 s4, $0xC;
	s5 =	simm.s32 @!p0 $0x0;
	(pc) =	sbr.rel .LBB1_1-.Ltmp0, $4  }
0xa: {  	s15 =	simm.s32 $0x0;
	s1 =	rddreg [dreg:$0x2];
	s5 =	sadd.s32 s5, s7  }
0xb: {  	_ =	strace $0x8000004A;
	s4 =	simm.s32 $0x1;
	s5 =	smul.u32 $0xD0, s5  }
0xc: {  	s6 =	sadd.s32 $0x800, s6;
	s14 =	smov.u32 s2;
	[sflag:s4] =	ssyncpa.u1 $0x0  }
0xd: {  	[sflag:s31] =	ssyncpa.u1 $0x0;
	p0 =	por $0x0, $0x0;
	s7 =	sor.u32 $0x1, s5  }
.LBB1_4:
0xe: {  	s23 =	sshra.s32 s23, $0x2;
	s30 =	sshll.u32 s9, $0xC  }
0xf: {  	p1 =	sgt.s32 s10, $0x19;
	s24 =	smov.u32 s10;
	s25 =	sshra.s32 s10, $0x1F  }
0x10: {  	s26 =	sshll.u32 s11, $0x3;
	s28 =	smov.u32 s11;
	s29 =	sshra.s32 s11, $0x1F  }
0x11: {  	s22 =	sadd.s32 s23, s22;
	s24 =	simm.s32 @!p1 $0x19;
	s25 =	sand.u32 s25, s10  }
0x12: {  	s23 =	sand.u32 $0xFFFF8000, s30;
	s27 =	sand.u32 $0xFFFFFC00, s26;
	p1 =	sgt.s32 s9, $0x368  }
0x13: {  	s31 =	sand.u32 s29, s11;
	s29 =	sshll.u32 s9, $0x7;
	s30 =	sshra.s32 s9, $0x1F  }
0x14: {  	[tilespmem:s21+$0x2040 ss:$0x81] =	vst.msk $0xffff, v4;
	s24 =	ssub.s32 s24, s25;
	s23 =	sadd.s32 s27, s23;
	s27 =	smov.u32 s9  }
0x15: {  	[tilespmem:s21+$0x2850 ss:$0x81] =	vst.msk $0xffff, v3;
	s29 =	sand.u32 $0x380, s29;
	s25 =	sadd.s32 $0xFFFFFFE7, s24;
	s27 =	simm.s32 @!p1 $0x368  }
0x16: {  	v5 =	vld [tilespmem:s20+$0xFFFFFFD0];
	[tilespmem:s21+$0x3060 ss:$0x81] =	vst.msk $0xffff, v2;
	p1 =	sgt.s32 s11, $0xF80;
	s23 =	sshrl.u32 s23, $0xC;
	s24 =	ssub.s32 $0x1A, s24  }
0x17: {  	v58 =	vld [tilespmem:s20+$0xFFFFFFE0];
	[tilespmem:s21+$0x0 ss:$0x81] =	vst.msk $0xffff, v1;
	s28 =	simm.s32 @!p1 $0xF80;
	p1 =	sgt.s32 s25, $0x0;
	s21 =	smulhi.u32 $0x418938, s23  }
0x18: {  	v59 =	vld [tilespmem:s20+$0xFFFFFFF0];
	s25 =	ssub.s32 s28, s31;
	s28 =	sand.u32 s30, s9;
	s24 =	simm.s32 @p1 $0x0  }
0x19: {  	v60 =	vld [tilespmem:s20+$0x0];
	s27 =	ssub.s32 s27, s28;
	s31 =	sadd.s32 $0xFFFFF080, s25;
	s25 =	ssub.s32 $0x1000, s25  }
0x1a: {  	v61 =	vld [tilespmem:s20+$0x10];
	[tilespmem:s22+$0x3870 ss:$0x81] =	vst.msk $0xffff, v0;
	s21 =	smul.u32 $0x3E8, s21;
	s28 =	sand.u32 $0x7, s11;
	p1 =	sgt.s32 s31, $0x7F  }
0x1b: {  	v62 =	vld [tilespmem:s20+$0x20];
	[tilespmem:s22+$0x810 ss:$0x81] =	vst.msk $0xffff, v5;
	s30 =	sadd.s32 $0xFFFFFC98, s27;
	s31 =	sand.u32 $0x78, s11;
	s25 =	simm.s32 @p1 $0x0  }
0x1c: {  	v63 =	vld [tilespmem:s20+$0xFFFFFFC0];
	[tilespmem:s22+$0x1020 ss:$0x81] =	vst.msk $0xffff, v58;
	p1 =	sgt.s32 s30, $0x7F;
	s30 =	sand.u32 $0xC00, s26;
	s24 =	smul.u32 s25, s24  }
0x1d: {  	[tilespmem:s22+$0x1830 ss:$0x81] =	vst.msk $0xffff, v59;
	s26 =	ssub.s32 $0x3E8, s27;
	s20 =	sor.u32 s31, s30;
	s31 =	smul.u32 $0x7D000, s10  }
0x1e: {  	[tilespmem:s22+$0x2040 ss:$0x81] =	vst.msk $0xffff, v60;
	s21 =	ssub.s32 s23, s21;
	s26 =	simm.s32 @p1 $0x0;
	s20 =	sor.u32 s29, s20  }
0x1f: {  	[tilespmem:s22+$0x2850 ss:$0x81] =	vst.msk $0xffff, v61;
	s26 =	smul.u32 s26, s24;
	s20 =	sshrl.u32 s20, $0x3;
	s27 =	sadd.s32 s3, s31  }
0x20: {  	[tilespmem:s22+$0x3060 ss:$0x81] =	vst.msk $0xffff, v62;
	s21 =	sshll.u32 s21, $0x9;
	s29 =	sshll.u32 s28, $0x12;
	s20 =	sadd.s32 s20, s27  }
0x21: {  	[tilespmem:s22+$0x0 ss:$0x81] =	vst.msk $0xffff, v63;
	s31 =	sor.u32 $0x400, s29;
	s30 =	sand.u32 $0x3FFFFFFF, s26;
	s20 =	sadd.s32 s21, s20  }
0x22: {  	[hbm4b:s20+s31] =	stream.strided.scatter [tilespmem:s19], [sflag:$0x2], s30, s8, s31, $0x20;
	[tilespmem:$0x10100] =	vst v63  }
.LBB1_5:
0x23: {  	p1 =	slt.u32 s15, $0x2  }
0x24: {  	p2 =	sgt.s32 @!p1 s18, $0x19  }
0x25: {  	s19 =	smov.u32 s18;
	s20 =	sshra.s32 @!p1 s18, $0x1F;
	p2 =	por !p2, p1  }
0x26: {  	s18 =	sand.u32 @!p1 s20, s18;
	s19 =	simm.s32 @p2 $0x19  }
0x27: {  	p3 =	sgt.s32 @!p1 s16, $0x368;
	s18 =	ssub.s32 @!p1 s19, s18  }
0x28: {  	p4 =	sgt.s32 @!p1 s17, $0xF80;
	s21 =	sshra.s32 @!p1 s17, $0x1F;
	s19 =	sadd.s32 @!p1 $0xFFFFFFE7, s18  }
0x29: {  	s20 =	smov.u32 s16;
	p2 =	sgt.s32 @!p1 s19, $0x0;
	s19 =	sshra.s32 @!p1 s16, $0x1F  }
0x2a: {  	p4 =	por !p4, p1;
	s16 =	sand.u32 @!p1 s19, s16;
	s19 =	smov.u32 s17  }
0x2b: {  	p3 =	por !p3, p1;
	s17 =	sand.u32 @!p1 s21, s17;
	s19 =	simm.s32 @p4 $0xF80  }
0x2c: {  	s20 =	simm.s32 @p3 $0x368;
	s18 =	ssub.s32 @!p1 $0x1A, s18;
	s17 =	ssub.s32 @!p1 s19, s17  }
0x2d: {  	p2 =	por !p2, p1;
	s16 =	ssub.s32 @!p1 s20, s16;
	s20 =	sadd.s32 @!p1 $0xFFFFF080, s17  }
0x2e: {  	s18 =	simm.s32 @!p2 $0x0;
	p3 =	sgt.s32 @!p1 s20, $0x7F  }
0x2f: {  	s19 =	sadd.s32 @!p1 $0xFFFFFC98, s16;
	s17 =	ssub.s32 @!p1 $0x1000, s17;
	p3 =	por !p3, p1  }
0x30: {  	p2 =	sgt.s32 @!p1 s19, $0x7F;
	s19 =	sadd.s32 $0x80, s12;
	s17 =	simm.s32 @!p3 $0x0  }
0x31: {  	p3 =	sgt.s32 s19, $0x3E7;
	s17 =	smul.u32 @!p1 s17, s18;
	s18 =	simm.s32 $0x1  }
0x32: {  	s16 =	ssub.s32 @!p1 $0x3E8, s16;
	p2 =	por !p2, p1;
	s18 =	simm.s32 @!p3 $0x0  }
0x33: {  	s21 =	smov.u32 s14;
	s16 =	simm.s32 @!p2 $0x0;
	s20 =	sadd.s32 s18, s13  }
0x34: {  	s16 =	smul.u32 @!p1 s16, s17;
	s17 =	sadd.s32 $0x1000, s14;
	p2 =	sgt.s32 s20, $0x19  }
0x35: {  	p0 =	por !p0, !p0;
	s22 =	simm.s32 @!p1 $0x2;
	s21 =	smov.u32 @p2 s17  }
0x36: {  	s19 =	simm.s32 @p3 $0x0;
	s20 =	simm.s32 @p2 $0x0;
	p2 =	sgt.s32 s21, $0xFFF  }
0x37: {  	s18 =	smov.u32 s10;
	s21 =	smov.u32 @p2 s2;
	p2 =	sne.s32 s15, s7  }
.Ltmp1:
0x38: {  	s10 =	smov.u32 s13;
	s16 =	sand.u32 @!p1 $0x3FFFFFFF, s16;
	(pc) =	sbr.rel @!p2 .LBB1_6-.Ltmp1, $4  }
0x39: {  	s17 =	smov.u32 s11;
	s11 =	smov.u32 s14;
	_ =	swait.ge @!p1 [sflag:s22], s16  }
0x3a: {  	s23 =	ssub.s32 @!p1 $0x0, s16;
	s16 =	smov.u32 s9;
	s9 =	smov.u32 s12  }
0x3b: {  	s12 =	smov.u32 s19;
	s13 =	smov.u32 s20;
	[sflag:s22] =	ssyncset.done @!p1 $0x0  }
0x3c: {  	s15 =	sadd.s32 $0x1, s15;
	[sflag:s22] =	ssyncadd.s32 @!p1 s23;
	s14 =	smov.u32 s21  }
.LBB1_1:
0x3d: {  	p1 =	sge.u32 s15, s5  }
0x3e: {  	s31 =	sadd.s32 $0xFFFFFFFF, s15;
	s19 =	sshll.u32 @!p1 s13, $0x7  }
0x3f: {  	s20 =	sxor.u32 @!p1 $0xFFFFFFFF, s15;
	s21 =	sand.u32 @!p1 $0x78, s12;
	s22 =	sand.u32 @!p1 $0x380, s19  }
0x40: {  	s20 =	sshll.u32 @!p1 s20, $0xE;
	s21 =	sor.u32 @!p1 s21, s22;
	s22 =	sshll.u32 @!p1 s14, $0xC  }
0x41: {  	s19 =	sand.u32 @!p1 $0xC00, s19;
	s21 =	sshrl.u32 @!p1 s21, $0x3;
	s22 =	sadd.s32 @!p1 s6, s22  }
0x42: {  	s19 =	sadd.s32 @!p1 s12, s19;
	s21 =	sadd.s32 @!p1 s21, s22;
	s22 =	sand.u32 @!p1 $0x7, s12  }
0x43: {  	s20 =	sand.u32 @!p1 $0x4000, s20;
	s19 =	sand.u32 @!p1 $0xF80, s19;
	s22 =	sshll.u32 @!p1 s22, $0x12  }
0x44: {  	s19 =	sadd.s32 @!p1 s19, s21;
	s21 =	sor.u32 @!p1 $0x80, s22;
	s22 =	simm.s32 @!p1 $0x8000  }
0x45: {  	[tilespmem:s20], [sflag:$0x1] =	stream.strided.gather @!p1 [hbm4b:s19+s21], $0x4000, s22, s21, $0x38;
	[tilespmem:$0x10100] =	vst v63  }
0x46: {  	p1 =	sge.u32 s31, s5  }
.Ltmp2:
0x47: {  	_ = 	snop;
	(pc) =	sbr.rel @p1 .LBB1_5-.Ltmp2, $1  }
0x48: {  	_ =	sdelay $0x3  }
0x49: {  	s19 =	simm.s32 $0x1  }
0x4a: {  	_ =	swait.ge [sflag:s4], $0x4000;
	s19 =	simm.s32 @!p0 $0x0  }
0x4b: {  	[sflag:s4] =	ssyncset.done $0x0;
	s20 =	sshll.u32 s19, $0xE  }
0x4c: {  	[sflag:s4] =	ssyncadd.s32 $0xFFFFC000;
	s20 =	sor.u32 $0x40, s20  }
0x4d: {  	s19 =	smul.u32 $0x10200, s19;
	v0 =	vld [tilespmem:s20+$0x30]  }
0x4e: {  	v1 =	vld [tilespmem:s20+$0xFFFFFFD0]  }
0x4f: {  	s19 =	sshrl.u32 s19, $0x2;
	v5 =	vld [tilespmem:s20+$0xFFFFFFE0]  }
0x50: {  	v6 =	vld [tilespmem:s20+$0xFFFFFFF0];
	s22 =	sor.u32 $0x8000, s19  }
0x51: {  	s31 =	sand.u32 $0x1, s15;
	v4 =	vld [tilespmem:s20+$0x0];
	s21 =	sadd.s32 $0x0, s22  }
0x52: {  	v3 =	vld [tilespmem:s20+$0x10];
	s19 =	smul.u32 $0x10200, s31;
	[tilespmem:s21+$0x3870 ss:$0x81] =	vst.msk $0xffff, v0  }
0x53: {  	v2 =	vld [tilespmem:s20+$0x20];
	[tilespmem:s21+$0x810 ss:$0x81] =	vst.msk $0xffff, v1  }
0x54: {  	s19 =	sshrl.u32 s19, $0x2;
	v1 =	vld [tilespmem:s20+$0xFFFFFFC0];
	[tilespmem:s21+$0x1020 ss:$0x81] =	vst.msk $0xffff, v5;
	s20 =	sadd.s32 $0x80, s20  }
0x55: {  	s23 =	simm.s32 $0x4;
	s24 =	simm.s32 $0x8;
	s19 =	sor.u32 $0x8000, s19;
	[tilespmem:s21+$0x1830 ss:$0x81] =	vst.msk $0xffff, v6;
	v0 =	vld [tilespmem:s20+$0x30]  }
.LBB1_3:
0x56: {  	p1 =	sne.s32 s24, $0x1FC;
	v5 =	vld [tilespmem:s20+$0xFFFFFFD0];
	[tilespmem:s21+$0x2040 ss:$0x81] =	vst.msk $0xffff, v4  }
0x57: {  	v6 =	vld [tilespmem:s20+$0xFFFFFFE0];
	[tilespmem:s21+$0x2850 ss:$0x81] =	vst.msk $0xffff, v3  }
0x58: {  	s25 =	sshra.s32 s23, $0x2;
	s23 =	smov.u32 s24;
	v7 =	vld [tilespmem:s20+$0xFFFFFFF0];
	[tilespmem:s21+$0x3060 ss:$0x81] =	vst.msk $0xffff, v2  }
.Ltmp3:
0x59: {  	v4 =	vld [tilespmem:s20+$0x0];
	[tilespmem:s21+$0x0 ss:$0x81] =	vst.msk $0xffff, v1;
	s21 =	sadd.s32 s25, s22;
	(pc) =	sbr.rel @p1 .LBB1_3-.Ltmp3, $4  }
0x5a: {  	v3 =	vld [tilespmem:s20+$0x10];
	[tilespmem:s21+$0x3870 ss:$0x81] =	vst.msk $0xffff, v0  }
0x5b: {  	[tilespmem:s21+$0x810 ss:$0x81] =	vst.msk $0xffff, v5;
	v2 =	vld [tilespmem:s20+$0x20]  }
0x5c: {  	v1 =	vld [tilespmem:s20+$0xFFFFFFC0];
	[tilespmem:s21+$0x1020 ss:$0x81] =	vst.msk $0xffff, v6;
	s20 =	sadd.s32 $0x80, s20  }
0x5d: {  	s24 =	sadd.s32 $0x4, s24;
	v0 =	vld [tilespmem:s20+$0x30];
	[tilespmem:s21+$0x1830 ss:$0x81] =	vst.msk $0xffff, v7  }
.Ltmp4:
0x5e: {  	_ = 	snop;
	(pc) =	sbr.rel .LBB1_4-.Ltmp4, $1  }
0x5f: {  	_ =	sdelay $0x3  }
.LBB1_6:
0x60: {  	_ =	sfence.sel $0x180000  }
0x61: {  	s2 =	simm.s32 $0x1;
	[bflag:$0x0] =	sbarrier.arrive $0xFFFF  }
0x62: {  	s31 =	simm.s32 $0x2;
	[sflag:s2] =	ssyncpa.u1 $0x1  }
0x63: {  	[sflag:s31] =	ssyncpa.u1 $0x1  }
0x64: {  	p0 =	sne.s32 s0, $0x0;
	_ =	strace $0x9000004A  }
0x65: {  	s0 =	sadd.s32 @!p0 $0x100000, s1;
	[bflag:$0x2] =	sbarrier.arrive $0xFFFF  }
0x66: {  	[sflag:s0] =	ssyncadd.tile.s32 @!p0 $0x1;
	_ =	shalt  }
.Lfunc_end1:
_tile_overlayer_lowered:
.L_overlay_start_2:
0x67: {  	(tag) =	ssettag $0x2  }
0x68: {  	s0 =	rddreg [dreg:$0x0];
	s2 =	stileid.u32  }
0x69: {  	s1 =	rddreg [dreg:$0x1];
	p0 =	sne.s32 s2, $0x0  }
0x6a: {  	s3 =	rddreg [dreg:$0x2];
	[bflag:$0x3] =	sbarrier.arrive $0xFFFF;
	s2 =	simm.s32 @!p0 $0x1C01  }
0x6b: {  	[timem:s3], [sflag:s2] =	dma.local @!p0 [hbm:s0], s1  }
0x6c: {  	s0 =	simm.s32 @!p0 $0x1  }
0x6d: {  	_ =	swait.ge @!p0 [sflag:s0], s1  }
0x6e: {  	s1 =	ssub.s32 @!p0 $0x0, s1;
	[sflag:s0] =	ssyncset.done @!p0 $0x0  }
0x6f: {  	[sflag:s0] =	ssyncadd.s32 @!p0 s1  }
0x70: {  	[bflag:$0x3] =	sbarrier.arrive $0xFFFF  }
0x71: {  	_ =	shalt  }

</sc_bundles>
